<compile_context>
chip_gen: v7x
topology: tpu7x:2x2x1
jax: 0.10.2.dev20260603
libtpu: 0.0.44.dev20260713+nightly
codegen_flags: <defaults>
</compile_context>

<pallas_src>
import functools

import jax
import jax.numpy as jnp
from jax import lax
from jax.experimental import pallas as pl
from jax.experimental.pallas import tpu as pltpu
from jax.experimental.pallas import tpu_sc as plsc

_BT = 512


def _argmin_body(x_ref, dict_ref, idx_ref):
    x = x_ref[...]
    d = dict_ref[...]
    dots = lax.dot_general(x.astype(jnp.bfloat16), d.astype(jnp.bfloat16),
                           (((1,), (1,)), ((), ())),
                           preferred_element_type=jnp.float32)
    dn = jnp.sum(d * d, axis=1)
    tn = jnp.sum(x * x, axis=1, keepdims=True)
    diffs = (-2.0 * dots + dn[None, :]) + tn
    k = d.shape[0]
    w = 2048
    run_v = None
    run_i = None
    for s in range(0, k, w):
        t = lax.slice_in_dim(diffs, s, s + w, axis=1)
        tm = jnp.min(t, axis=1, keepdims=True)
        iota = lax.broadcasted_iota(jnp.int32, t.shape, 1) + jnp.int32(s)
        ti = jnp.min(jnp.where(t == tm, iota, jnp.int32(k)),
                     axis=1, keepdims=True)
        if run_v is None:
            run_v, run_i = tm, ti
        else:
            take = tm < run_v
            run_v = jnp.where(take, tm, run_v)
            run_i = jnp.where(take, ti, run_i)
        run_v = run_v.astype(jnp.bfloat16).astype(jnp.float32)
    idx_ref[0, 0, :] = run_i[:, 0]


def _distance_argmin(xf, dictionary):
    b, c = xf.shape
    k = dictionary.shape[0]
    nb = b // _BT
    idx2 = pl.pallas_call(
        _argmin_body,
        grid=(nb,),
        in_specs=[
            pl.BlockSpec((_BT, c), lambda i: (i, 0)),
            pl.BlockSpec((k, c), lambda i: (0, 0)),
        ],
        out_specs=pl.BlockSpec((1, 1, _BT), lambda i: (i, 0, 0)),
        out_shape=jax.ShapeDtypeStruct((nb, 1, _BT), jnp.int32),
    )(xf, dictionary)
    return idx2.reshape(b)


def _sc_gather(dictionary, idxs):
    b = idxs.shape[0]
    d = dictionary.shape[1]
    info = plsc.get_sparse_core_info()
    nw = info.num_cores * info.num_subcores
    bpw = b // nw
    nch = bpw // 128
    mesh = plsc.VectorSubcoreMesh(core_axis_name="c", subcore_axis_name="s")

    @functools.partial(
        pl.kernel,
        out_type=jax.ShapeDtypeStruct((b, d), jnp.float32),
        mesh=mesh,
        scratch_types=[
            pltpu.VMEM((nch, 128), jnp.int32),
            pltpu.VMEM((nch, 128, d), jnp.float32),
            pltpu.SemaphoreType.DMA,
        ],
    )
    def gather(table_hbm, idx_hbm, out_hbm, idx_v, rows_v, sem):
        wid = lax.axis_index("s") * info.num_cores + lax.axis_index("c")
        base = wid * bpw
        for j in range(nch):
            pltpu.sync_copy(idx_hbm.at[pl.ds(base + j * 128, 128)], idx_v.at[j])
        copies = [
            pltpu.async_copy(table_hbm.at[idx_v.at[j]], rows_v.at[j], sem)
            for j in range(nch)
        ]
        for cp in copies:
            cp.wait()
        for j in range(nch):
            pltpu.sync_copy(rows_v.at[j], out_hbm.at[pl.ds(base + j * 128, 128)])

    return gather(dictionary, idxs)


def kernel(inputs, dictionary):
    in_shape = inputs.shape
    n, c = in_shape[0], in_shape[1]
    s = 1
    for dim in in_shape[2:]:
        s *= dim
    xf = inputs.reshape(n, c, s).transpose(0, 2, 1).reshape(n * s, c)
    idxs = _distance_argmin(xf, dictionary)
    dict_pad = jnp.pad(dictionary, ((0, 0), (0, 128 - c)))
    emb_flat = _sc_gather(dict_pad, idxs)[:, :c]
    embedded = emb_flat.reshape(n, s, c).transpose(0, 2, 1).reshape(in_shape)
    idxs_out = idxs.reshape((n,) + tuple(in_shape[2:]))
    return (embedded, embedded, idxs_out)

# --- scband reference (transcript-rebuilt; emitter-appended) ---
"""Pipeline reference for scband-vq-21552145891607 (READ-ONLY COPY).

The authoritative reference and input builder live on the scoring server;
editing this copy changes nothing except your own understanding.
"""

import jax, jax.numpy as jnp
import numpy as np


def setup_inputs(seed: int = 0) -> dict:
    key = jax.random.key(seed)
    k1, k2 = jax.random.split(key)
    inputs = jax.random.normal(k1, (8, 32, 32, 32), dtype=jnp.float32)
    dictionary = jax.random.normal(k2, (8192, 32), dtype=jnp.float32)
    return {"inputs": inputs, "dictionary": dictionary}


def reference(inputs, dictionary):
    in_shape = inputs.shape
    N, C = in_shape[0], in_shape[1]
    # flatten_channels: [N, C, ...] -> [B, C]
    x = inputs.reshape(N, C, -1).transpose(0, 2, 1)
    permuted_shape = x.shape
    xf = x.reshape(-1, C)
    # embedding_distances: ||d||^2 + ||x||^2 - 2 x.d
    dict_norms = jnp.sum(dictionary * dictionary, axis=-1)
    tensor_norms = jnp.sum(xf * xf, axis=-1)
    dots = xf @ dictionary.T
    diffs = -2.0 * dots + dict_norms[None, :] + tensor_norms[:, None]
    idxs = jnp.argmin(diffs, axis=-1)
    # embed: gather codebook rows
    embedded_flat = jnp.take(dictionary, idxs, axis=0)
    passthrough_flat = jax.lax.stop_gradient(embedded_flat) + (xf - jax.lax.stop_gradient(xf))

    def unflatten(y):
        return y.reshape(permuted_shape).transpose(0, 2, 1).reshape(in_shape)

    embedded = unflatten(embedded_flat)
    passthrough = unflatten(passthrough_flat)
    idxs_out = idxs.reshape((N,) + tuple(in_shape[2:]))
    return (embedded, passthrough, idxs_out)

if __name__ == "__main__":
    import jax
    _d = setup_inputs()
    print(jax.jit(kernel)(*tuple(_d.values())))

</pallas_src>

<mosaic_0001>
#map = affine_map<(d0, d1) -> (0, 0)>
#map1 = affine_map<(d0, d1) -> (0)>
module attributes {stable_mosaic.version = 14 : i64} {
  func.func @gather(%arg0: i32, %arg1: i32, %arg2: memref<8192x128xf32, #tpu.memory_space<hbm>>, %arg3: memref<8192xi32, #tpu.memory_space<hbm>>, %arg4: memref<8192x128xf32, #tpu.memory_space<hbm>>, %arg5: memref<2x128xi32, #tpu.memory_space<vmem>>, %arg6: memref<2x128x128xf32, #tpu.memory_space<vmem>>, %arg7: memref<!tpu.dma_semaphore, #tpu.memory_space<semaphore_mem>>) attributes {dimension_semantics = [#tpu.dimension_semantics<core_parallel>, #tpu.dimension_semantics<subcore_parallel>], iteration_bounds = array<i64: 2, 16>, scalar_prefetch = 0 : i64, scratch_operands = 3 : i64, tpu.core_type = #tpu.core_type<sc_vector_subcore>, window_params = [{transform_indices = #map}, {transform_indices = #map1}, {transform_indices = #map}]} {
    %mul3A = arith.constant 2 : i32
    %mul3A_0 = arith.muli %arg1, %mul3A : i32
    %add3A = arith.addi %mul3A_0, %arg0 : i32
    %mul3A_1 = arith.constant 256 : i32
    %mul3A_2 = arith.muli %add3A, %mul3A_1 : i32
    %add3A_3 = arith.constant 0 : i32
    %add3A_4 = arith.addi %mul3A_2, %add3A_3 : i32
    %run_scoped3A = arith.constant 0 : i32
    "tpu.region"() ({
      %run_scoped3A_60 = tpu.sem_alloc : memref<!tpu.dma_semaphore, #tpu.memory_space<semaphore_mem>>
      %dma_start3A_61 = arith.constant 0 : i32
      %dma_start3A_62 = tpu.memref_slice %arg5[%run_scoped3A, %dma_start3A_61] : memref<2x128xi32, #tpu.memory_space<vmem>> -> memref<1x128xi32, #tpu.memory_space<vmem>>
      %dma_start3A_63 = tpu.memref_squeeze %dma_start3A_62 : memref<1x128xi32, #tpu.memory_space<vmem>> -> memref<128xi32, #tpu.memory_space<vmem>>
      %dma_start3A_64 = tpu.memref_slice %arg3[%add3A_4] : memref<8192xi32, #tpu.memory_space<hbm>> -> memref<128xi32, #tpu.memory_space<hbm>>
      %dma_start3A_65 = arith.constant 0 : i32
      %dma_start3A_66 = tpu.memref_slice %arg5[%run_scoped3A, %dma_start3A_65] : memref<2x128xi32, #tpu.memory_space<vmem>> -> memref<1x128xi32, #tpu.memory_space<vmem>>
      %dma_start3A_67 = tpu.memref_squeeze %dma_start3A_66 : memref<1x128xi32, #tpu.memory_space<vmem>> -> memref<128xi32, #tpu.memory_space<vmem>>
      %dma_start3A_68 = tpu.memref_slice %arg3[%add3A_4] : memref<8192xi32, #tpu.memory_space<hbm>> -> memref<128xi32, #tpu.memory_space<hbm>>
      tpu.enqueue_dma source(%dma_start3A_68 : memref<128xi32, #tpu.memory_space<hbm>>) target(%dma_start3A_67 : memref<128xi32, #tpu.memory_space<vmem>>) target_semaphore(%run_scoped3A_60 : memref<!tpu.dma_semaphore, #tpu.memory_space<semaphore_mem>>)
      %dma_wait3A_69 = arith.constant 0 : i32
      %dma_wait3A_70 = tpu.memref_slice %arg5[%run_scoped3A, %dma_wait3A_69] : memref<2x128xi32, #tpu.memory_space<vmem>> -> memref<1x128xi32, #tpu.memory_space<vmem>>
      %dma_wait3A_71 = tpu.memref_squeeze %dma_wait3A_70 : memref<1x128xi32, #tpu.memory_space<vmem>> -> memref<128xi32, #tpu.memory_space<vmem>>
      %dma_wait3A_72 = tpu.memref_slice %arg3[%add3A_4] : memref<8192xi32, #tpu.memory_space<hbm>> -> memref<128xi32, #tpu.memory_space<hbm>>
      %dma_wait3A_73 = arith.constant 0 : i32
      %dma_wait3A_74 = tpu.memref_slice %arg5[%run_scoped3A, %dma_wait3A_73] : memref<2x128xi32, #tpu.memory_space<vmem>> -> memref<1x128xi32, #tpu.memory_space<vmem>>
      %dma_wait3A_75 = tpu.memref_squeeze %dma_wait3A_74 : memref<1x128xi32, #tpu.memory_space<vmem>> -> memref<128xi32, #tpu.memory_space<vmem>>
      %dma_wait3A_76 = tpu.memref_slice %arg3[%add3A_4] : memref<8192xi32, #tpu.memory_space<hbm>> -> memref<128xi32, #tpu.memory_space<hbm>>
      tpu.wait_dma2 semaphore(%run_scoped3A_60 : memref<!tpu.dma_semaphore, #tpu.memory_space<semaphore_mem>>) src(%dma_wait3A_76 : memref<128xi32, #tpu.memory_space<hbm>>) dst(%dma_wait3A_75 : memref<128xi32, #tpu.memory_space<vmem>>)
      tpu.yield
    }) : () -> ()
    %add3A_5 = arith.constant 128 : i32
    %add3A_6 = arith.addi %mul3A_2, %add3A_5 : i32
    %run_scoped3A_7 = arith.constant 1 : i32
    "tpu.region"() ({
      %run_scoped3A_60 = tpu.sem_alloc : memref<!tpu.dma_semaphore, #tpu.memory_space<semaphore_mem>>
      %dma_start3A_61 = arith.constant 0 : i32
      %dma_start3A_62 = tpu.memref_slice %arg5[%run_scoped3A_7, %dma_start3A_61] : memref<2x128xi32, #tpu.memory_space<vmem>> -> memref<1x128xi32, #tpu.memory_space<vmem>>
      %dma_start3A_63 = tpu.memref_squeeze %dma_start3A_62 : memref<1x128xi32, #tpu.memory_space<vmem>> -> memref<128xi32, #tpu.memory_space<vmem>>
      %dma_start3A_64 = tpu.memref_slice %arg3[%add3A_6] : memref<8192xi32, #tpu.memory_space<hbm>> -> memref<128xi32, #tpu.memory_space<hbm>>
      %dma_start3A_65 = arith.constant 0 : i32
      %dma_start3A_66 = tpu.memref_slice %arg5[%run_scoped3A_7, %dma_start3A_65] : memref<2x128xi32, #tpu.memory_space<vmem>> -> memref<1x128xi32, #tpu.memory_space<vmem>>
      %dma_start3A_67 = tpu.memref_squeeze %dma_start3A_66 : memref<1x128xi32, #tpu.memory_space<vmem>> -> memref<128xi32, #tpu.memory_space<vmem>>
      %dma_start3A_68 = tpu.memref_slice %arg3[%add3A_6] : memref<8192xi32, #tpu.memory_space<hbm>> -> memref<128xi32, #tpu.memory_space<hbm>>
      tpu.enqueue_dma source(%dma_start3A_68 : memref<128xi32, #tpu.memory_space<hbm>>) target(%dma_start3A_67 : memref<128xi32, #tpu.memory_space<vmem>>) target_semaphore(%run_scoped3A_60 : memref<!tpu.dma_semaphore, #tpu.memory_space<semaphore_mem>>)
      %dma_wait3A_69 = arith.constant 0 : i32
      %dma_wait3A_70 = tpu.memref_slice %arg5[%run_scoped3A_7, %dma_wait3A_69] : memref<2x128xi32, #tpu.memory_space<vmem>> -> memref<1x128xi32, #tpu.memory_space<vmem>>
      %dma_wait3A_71 = tpu.memref_squeeze %dma_wait3A_70 : memref<1x128xi32, #tpu.memory_space<vmem>> -> memref<128xi32, #tpu.memory_space<vmem>>
      %dma_wait3A_72 = tpu.memref_slice %arg3[%add3A_6] : memref<8192xi32, #tpu.memory_space<hbm>> -> memref<128xi32, #tpu.memory_space<hbm>>
      %dma_wait3A_73 = arith.constant 0 : i32
      %dma_wait3A_74 = tpu.memref_slice %arg5[%run_scoped3A_7, %dma_wait3A_73] : memref<2x128xi32, #tpu.memory_space<vmem>> -> memref<1x128xi32, #tpu.memory_space<vmem>>
      %dma_wait3A_75 = tpu.memref_squeeze %dma_wait3A_74 : memref<1x128xi32, #tpu.memory_space<vmem>> -> memref<128xi32, #tpu.memory_space<vmem>>
      %dma_wait3A_76 = tpu.memref_slice %arg3[%add3A_6] : memref<8192xi32, #tpu.memory_space<hbm>> -> memref<128xi32, #tpu.memory_space<hbm>>
      tpu.wait_dma2 semaphore(%run_scoped3A_60 : memref<!tpu.dma_semaphore, #tpu.memory_space<semaphore_mem>>) src(%dma_wait3A_76 : memref<128xi32, #tpu.memory_space<hbm>>) dst(%dma_wait3A_75 : memref<128xi32, #tpu.memory_space<vmem>>)
      tpu.yield
    }) : () -> ()
    %dma_start3A = arith.constant 0 : i32
    %dma_start3A_8 = arith.constant 0 : i32
    %dma_start3A_9 = arith.constant 0 : i32
    %dma_start3A_10 = arith.constant 0 : i32
    %dma_start3A_11 = tpu.memref_slice %arg6[%dma_start3A_8, %dma_start3A_9, %dma_start3A_10] : memref<2x128x128xf32, #tpu.memory_space<vmem>> -> memref<1x128x128xf32, #tpu.memory_space<vmem>>
    %dma_start3A_12 = tpu.memref_squeeze %dma_start3A_11 : memref<1x128x128xf32, #tpu.memory_space<vmem>> -> memref<128x128xf32, #tpu.memory_space<vmem>>
    %dma_start3A_13 = arith.constant 0 : i32
    %dma_start3A_14 = tpu.memref_slice %arg5[%dma_start3A, %dma_start3A_13] : memref<2x128xi32, #tpu.memory_space<vmem>> -> memref<1x128xi32, #tpu.memory_space<vmem>>
    %dma_start3A_15 = tpu.memref_squeeze %dma_start3A_14 : memref<1x128xi32, #tpu.memory_space<vmem>> -> memref<128xi32, #tpu.memory_space<vmem>>
    %dma_start3A_16 = arith.constant 0 : i32
    %dma_start3A_17 = arith.constant 0 : i32
    %dma_start3A_18 = tpu.memref_slice %arg2[%dma_start3A_16, %dma_start3A_17] : memref<8192x128xf32, #tpu.memory_space<hbm>> -> memref<8192x128xf32, #tpu.memory_space<hbm>>
    tpu.enqueue_indirect_dma source(%dma_start3A_18 : memref<8192x128xf32, #tpu.memory_space<hbm>>) target(%dma_start3A_12 : memref<128x128xf32, #tpu.memory_space<vmem>>) offsets(%dma_start3A_15 : memref<128xi32, #tpu.memory_space<vmem>>) semaphore(%arg7 : memref<!tpu.dma_semaphore, #tpu.memory_space<semaphore_mem>>)
    %dma_start3A_19 = arith.constant 1 : i32
    %dma_start3A_20 = arith.constant 1 : i32
    %dma_start3A_21 = arith.constant 0 : i32
    %dma_start3A_22 = arith.constant 0 : i32
    %dma_start3A_23 = tpu.memref_slice %arg6[%dma_start3A_20, %dma_start3A_21, %dma_start3A_22] : memref<2x128x128xf32, #tpu.memory_space<vmem>> -> memref<1x128x128xf32, #tpu.memory_space<vmem>>
    %dma_start3A_24 = tpu.memref_squeeze %dma_start3A_23 : memref<1x128x128xf32, #tpu.memory_space<vmem>> -> memref<128x128xf32, #tpu.memory_space<vmem>>
    %dma_start3A_25 = arith.constant 0 : i32
    %dma_start3A_26 = tpu.memref_slice %arg5[%dma_start3A_19, %dma_start3A_25] : memref<2x128xi32, #tpu.memory_space<vmem>> -> memref<1x128xi32, #tpu.memory_space<vmem>>
    %dma_start3A_27 = tpu.memref_squeeze %dma_start3A_26 : memref<1x128xi32, #tpu.memory_space<vmem>> -> memref<128xi32, #tpu.memory_space<vmem>>
    %dma_start3A_28 = arith.constant 0 : i32
    %dma_start3A_29 = arith.constant 0 : i32
    %dma_start3A_30 = tpu.memref_slice %arg2[%dma_start3A_28, %dma_start3A_29] : memref<8192x128xf32, #tpu.memory_space<hbm>> -> memref<8192x128xf32, #tpu.memory_space<hbm>>
    tpu.enqueue_indirect_dma source(%dma_start3A_30 : memref<8192x128xf32, #tpu.memory_space<hbm>>) target(%dma_start3A_24 : memref<128x128xf32, #tpu.memory_space<vmem>>) offsets(%dma_start3A_27 : memref<128xi32, #tpu.memory_space<vmem>>) semaphore(%arg7 : memref<!tpu.dma_semaphore, #tpu.memory_space<semaphore_mem>>)
    %dma_wait3A = arith.constant 0 : i32
    %dma_wait3A_31 = arith.constant 0 : i32
    %dma_wait3A_32 = arith.constant 0 : i32
    %dma_wait3A_33 = arith.constant 0 : i32
    %dma_wait3A_34 = tpu.memref_slice %arg6[%dma_wait3A_31, %dma_wait3A_32, %dma_wait3A_33] : memref<2x128x128xf32, #tpu.memory_space<vmem>> -> memref<1x128x128xf32, #tpu.memory_space<vmem>>
    %dma_wait3A_35 = tpu.memref_squeeze %dma_wait3A_34 : memref<1x128x128xf32, #tpu.memory_space<vmem>> -> memref<128x128xf32, #tpu.memory_space<vmem>>
    %dma_wait3A_36 = arith.constant 0 : i32
    %dma_wait3A_37 = tpu.memref_slice %arg5[%dma_wait3A, %dma_wait3A_36] : memref<2x128xi32, #tpu.memory_space<vmem>> -> memref<1x128xi32, #tpu.memory_space<vmem>>
    %dma_wait3A_38 = tpu.memref_squeeze %dma_wait3A_37 : memref<1x128xi32, #tpu.memory_space<vmem>> -> memref<128xi32, #tpu.memory_space<vmem>>
    %dma_wait3A_39 = arith.constant 0 : i32
    %dma_wait3A_40 = arith.constant 0 : i32
    %dma_wait3A_41 = tpu.memref_slice %arg2[%dma_wait3A_39, %dma_wait3A_40] : memref<8192x128xf32, #tpu.memory_space<hbm>> -> memref<8192x128xf32, #tpu.memory_space<hbm>>
    tpu.wait_indirect_dma semaphore(%arg7 : memref<!tpu.dma_semaphore, #tpu.memory_space<semaphore_mem>>) src(%dma_wait3A_41 : memref<8192x128xf32, #tpu.memory_space<hbm>>) dst(%dma_wait3A_35 : memref<128x128xf32, #tpu.memory_space<vmem>>)
    %dma_wait3A_42 = arith.constant 1 : i32
    %dma_wait3A_43 = arith.constant 1 : i32
    %dma_wait3A_44 = arith.constant 0 : i32
    %dma_wait3A_45 = arith.constant 0 : i32
    %dma_wait3A_46 = tpu.memref_slice %arg6[%dma_wait3A_43, %dma_wait3A_44, %dma_wait3A_45] : memref<2x128x128xf32, #tpu.memory_space<vmem>> -> memref<1x128x128xf32, #tpu.memory_space<vmem>>
    %dma_wait3A_47 = tpu.memref_squeeze %dma_wait3A_46 : memref<1x128x128xf32, #tpu.memory_space<vmem>> -> memref<128x128xf32, #tpu.memory_space<vmem>>
    %dma_wait3A_48 = arith.constant 0 : i32
    %dma_wait3A_49 = tpu.memref_slice %arg5[%dma_wait3A_42, %dma_wait3A_48] : memref<2x128xi32, #tpu.memory_space<vmem>> -> memref<1x128xi32, #tpu.memory_space<vmem>>
    %dma_wait3A_50 = tpu.memref_squeeze %dma_wait3A_49 : memref<1x128xi32, #tpu.memory_space<vmem>> -> memref<128xi32, #tpu.memory_space<vmem>>
    %dma_wait3A_51 = arith.constant 0 : i32
    %dma_wait3A_52 = arith.constant 0 : i32
    %dma_wait3A_53 = tpu.memref_slice %arg2[%dma_wait3A_51, %dma_wait3A_52] : memref<8192x128xf32, #tpu.memory_space<hbm>> -> memref<8192x128xf32, #tpu.memory_space<hbm>>
    tpu.wait_indirect_dma semaphore(%arg7 : memref<!tpu.dma_semaphore, #tpu.memory_space<semaphore_mem>>) src(%dma_wait3A_53 : memref<8192x128xf32, #tpu.memory_space<hbm>>) dst(%dma_wait3A_47 : memref<128x128xf32, #tpu.memory_space<vmem>>)
    %add3A_54 = arith.constant 0 : i32
    %add3A_55 = arith.addi %mul3A_2, %add3A_54 : i32
    %run_scoped3A_56 = arith.constant 0 : i32
    "tpu.region"() ({
      %run_scoped3A_60 = tpu.sem_alloc : memref<!tpu.dma_semaphore, #tpu.memory_space<semaphore_mem>>
      %dma_start3A_61 = arith.constant 0 : i32
      %dma_start3A_62 = arith.constant 0 : i32
      %dma_start3A_63 = tpu.memref_slice %arg6[%run_scoped3A_56, %dma_start3A_61, %dma_start3A_62] : memref<2x128x128xf32, #tpu.memory_space<vmem>> -> memref<1x128x128xf32, #tpu.memory_space<vmem>>
      %dma_start3A_64 = tpu.memref_squeeze %dma_start3A_63 : memref<1x128x128xf32, #tpu.memory_space<vmem>> -> memref<128x128xf32, #tpu.memory_space<vmem>>
      %dma_start3A_65 = arith.constant 0 : i32
      %dma_start3A_66 = tpu.memref_slice %arg4[%add3A_55, %dma_start3A_65] : memref<8192x128xf32, #tpu.memory_space<hbm>> -> memref<128x128xf32, #tpu.memory_space<hbm>>
      %dma_start3A_67 = arith.constant 0 : i32
      %dma_start3A_68 = tpu.memref_slice %arg4[%add3A_55, %dma_start3A_67] : memref<8192x128xf32, #tpu.memory_space<hbm>> -> memref<128x128xf32, #tpu.memory_space<hbm>>
      %dma_start3A_69 = arith.constant 0 : i32
      %dma_start3A_70 = arith.constant 0 : i32
      %dma_start3A_71 = tpu.memref_slice %arg6[%run_scoped3A_56, %dma_start3A_69, %dma_start3A_70] : memref<2x128x128xf32, #tpu.memory_space<vmem>> -> memref<1x128x128xf32, #tpu.memory_space<vmem>>
      %dma_start3A_72 = tpu.memref_squeeze %dma_start3A_71 : memref<1x128x128xf32, #tpu.memory_space<vmem>> -> memref<128x128xf32, #tpu.memory_space<vmem>>
      tpu.enqueue_dma source(%dma_start3A_72 : memref<128x128xf32, #tpu.memory_space<vmem>>) target(%dma_start3A_68 : memref<128x128xf32, #tpu.memory_space<hbm>>) target_semaphore(%run_scoped3A_60 : memref<!tpu.dma_semaphore, #tpu.memory_space<semaphore_mem>>)
      %dma_wait3A_73 = arith.constant 0 : i32
      %dma_wait3A_74 = arith.constant 0 : i32
      %dma_wait3A_75 = tpu.memref_slice %arg6[%run_scoped3A_56, %dma_wait3A_73, %dma_wait3A_74] : memref<2x128x128xf32, #tpu.memory_space<vmem>> -> memref<1x128x128xf32, #tpu.memory_space<vmem>>
      %dma_wait3A_76 = tpu.memref_squeeze %dma_wait3A_75 : memref<1x128x128xf32, #tpu.memory_space<vmem>> -> memref<128x128xf32, #tpu.memory_space<vmem>>
      %dma_wait3A_77 = arith.constant 0 : i32
      %dma_wait3A_78 = tpu.memref_slice %arg4[%add3A_55, %dma_wait3A_77] : memref<8192x128xf32, #tpu.memory_space<hbm>> -> memref<128x128xf32, #tpu.memory_space<hbm>>
      %dma_wait3A_79 = arith.constant 0 : i32
      %dma_wait3A_80 = tpu.memref_slice %arg4[%add3A_55, %dma_wait3A_79] : memref<8192x128xf32, #tpu.memory_space<hbm>> -> memref<128x128xf32, #tpu.memory_space<hbm>>
      %dma_wait3A_81 = arith.constant 0 : i32
      %dma_wait3A_82 = arith.constant 0 : i32
      %dma_wait3A_83 = tpu.memref_slice %arg6[%run_scoped3A_56, %dma_wait3A_81, %dma_wait3A_82] : memref<2x128x128xf32, #tpu.memory_space<vmem>> -> memref<1x128x128xf32, #tpu.memory_space<vmem>>
      %dma_wait3A_84 = tpu.memref_squeeze %dma_wait3A_83 : memref<1x128x128xf32, #tpu.memory_space<vmem>> -> memref<128x128xf32, #tpu.memory_space<vmem>>
      tpu.wait_dma2 semaphore(%run_scoped3A_60 : memref<!tpu.dma_semaphore, #tpu.memory_space<semaphore_mem>>) src(%dma_wait3A_84 : memref<128x128xf32, #tpu.memory_space<vmem>>) dst(%dma_wait3A_80 : memref<128x128xf32, #tpu.memory_space<hbm>>)
      tpu.yield
    }) : () -> ()
    %add3A_57 = arith.constant 128 : i32
    %add3A_58 = arith.addi %mul3A_2, %add3A_57 : i32
    %run_scoped3A_59 = arith.constant 1 : i32
    "tpu.region"() ({
      %run_scoped3A_60 = tpu.sem_alloc : memref<!tpu.dma_semaphore, #tpu.memory_space<semaphore_mem>>
      %dma_start3A_61 = arith.constant 0 : i32
      %dma_start3A_62 = arith.constant 0 : i32
      %dma_start3A_63 = tpu.memref_slice %arg6[%run_scoped3A_59, %dma_start3A_61, %dma_start3A_62] : memref<2x128x128xf32, #tpu.memory_space<vmem>> -> memref<1x128x128xf32, #tpu.memory_space<vmem>>
      %dma_start3A_64 = tpu.memref_squeeze %dma_start3A_63 : memref<1x128x128xf32, #tpu.memory_space<vmem>> -> memref<128x128xf32, #tpu.memory_space<vmem>>
      %dma_start3A_65 = arith.constant 0 : i32
      %dma_start3A_66 = tpu.memref_slice %arg4[%add3A_58, %dma_start3A_65] : memref<8192x128xf32, #tpu.memory_space<hbm>> -> memref<128x128xf32, #tpu.memory_space<hbm>>
      %dma_start3A_67 = arith.constant 0 : i32
      %dma_start3A_68 = tpu.memref_slice %arg4[%add3A_58, %dma_start3A_67] : memref<8192x128xf32, #tpu.memory_space<hbm>> -> memref<128x128xf32, #tpu.memory_space<hbm>>
      %dma_start3A_69 = arith.constant 0 : i32
      %dma_start3A_70 = arith.constant 0 : i32
      %dma_start3A_71 = tpu.memref_slice %arg6[%run_scoped3A_59, %dma_start3A_69, %dma_start3A_70] : memref<2x128x128xf32, #tpu.memory_space<vmem>> -> memref<1x128x128xf32, #tpu.memory_space<vmem>>
      %dma_start3A_72 = tpu.memref_squeeze %dma_start3A_71 : memref<1x128x128xf32, #tpu.memory_space<vmem>> -> memref<128x128xf32, #tpu.memory_space<vmem>>
      tpu.enqueue_dma source(%dma_start3A_72 : memref<128x128xf32, #tpu.memory_space<vmem>>) target(%dma_start3A_68 : memref<128x128xf32, #tpu.memory_space<hbm>>) target_semaphore(%run_scoped3A_60 : memref<!tpu.dma_semaphore, #tpu.memory_space<semaphore_mem>>)
      %dma_wait3A_73 = arith.constant 0 : i32
      %dma_wait3A_74 = arith.constant 0 : i32
      %dma_wait3A_75 = tpu.memref_slice %arg6[%run_scoped3A_59, %dma_wait3A_73, %dma_wait3A_74] : memref<2x128x128xf32, #tpu.memory_space<vmem>> -> memref<1x128x128xf32, #tpu.memory_space<vmem>>
      %dma_wait3A_76 = tpu.memref_squeeze %dma_wait3A_75 : memref<1x128x128xf32, #tpu.memory_space<vmem>> -> memref<128x128xf32, #tpu.memory_space<vmem>>
      %dma_wait3A_77 = arith.constant 0 : i32
      %dma_wait3A_78 = tpu.memref_slice %arg4[%add3A_58, %dma_wait3A_77] : memref<8192x128xf32, #tpu.memory_space<hbm>> -> memref<128x128xf32, #tpu.memory_space<hbm>>
      %dma_wait3A_79 = arith.constant 0 : i32
      %dma_wait3A_80 = tpu.memref_slice %arg4[%add3A_58, %dma_wait3A_79] : memref<8192x128xf32, #tpu.memory_space<hbm>> -> memref<128x128xf32, #tpu.memory_space<hbm>>
      %dma_wait3A_81 = arith.constant 0 : i32
      %dma_wait3A_82 = arith.constant 0 : i32
      %dma_wait3A_83 = tpu.memref_slice %arg6[%run_scoped3A_59, %dma_wait3A_81, %dma_wait3A_82] : memref<2x128x128xf32, #tpu.memory_space<vmem>> -> memref<1x128x128xf32, #tpu.memory_space<vmem>>
      %dma_wait3A_84 = tpu.memref_squeeze %dma_wait3A_83 : memref<1x128x128xf32, #tpu.memory_space<vmem>> -> memref<128x128xf32, #tpu.memory_space<vmem>>
      tpu.wait_dma2 semaphore(%run_scoped3A_60 : memref<!tpu.dma_semaphore, #tpu.memory_space<semaphore_mem>>) src(%dma_wait3A_84 : memref<128x128xf32, #tpu.memory_space<vmem>>) dst(%dma_wait3A_80 : memref<128x128xf32, #tpu.memory_space<hbm>>)
      tpu.yield
    }) : () -> ()
    return
  }
}

module attributes {stable_mosaic.version = 14 : i64} {
  func.func @_argmin_body(%arg0: i32, %arg1: memref<512x32xf32, #tpu.memory_space<vmem>>, %arg2: memref<8192x32xf32, #tpu.memory_space<vmem>>, %arg3: memref<1x1x512xi32, #tpu.memory_space<vmem>>) attributes {dimension_semantics = [#tpu.dimension_semantics<arbitrary>], iteration_bounds = array<i64: 16>, scalar_prefetch = 0 : i64, scratch_operands = 0 : i64, tpu.core_type = #tpu.core_type<tc>, window_params = [{transform_indices = @transform_0, window_bounds = array<i64: 512, 32>}, {pipeline_mode = #tpu.pipeline_mode<synchronous>, transform_indices = @transform_1, window_bounds = array<i64: 8192, 32>}, {transform_indices = @transform_2, window_bounds = array<i64: 1, 1, 512>}]} {
    %get3A = arith.constant 0 : index
    %get3A_0 = arith.constant 0 : index
    %get3A_1 = vector.load %arg1[%get3A, %get3A_0] : memref<512x32xf32, #tpu.memory_space<vmem>>, vector<512x32xf32>
    %get3A_2 = arith.constant 0 : index
    %get3A_3 = arith.constant 0 : index
    %get3A_4 = vector.load %arg2[%get3A_2, %get3A_3] : memref<8192x32xf32, #tpu.memory_space<vmem>>, vector<8192x32xf32>
    %convert_element_type3A = arith.truncf %get3A_1 : vector<512x32xf32> to vector<512x32xbf16>
    %convert_element_type3A_5 = arith.truncf %get3A_4 : vector<8192x32xf32> to vector<8192x32xbf16>
    %dot_general3A = arith.constant dense<0.000000e+00> : vector<512x8192xf32>
    %dot_general3A_6 = tpu.matmul %convert_element_type3A, %convert_element_type3A_5, %dot_general3A {dimension_numbers = #tpu.dot_dimension_numbers<[1], [1], [0], [0], [0, 0, 1, 0], [], []>, transpose_lhs_hint = false} : vector<512x32xbf16>, vector<8192x32xbf16>, vector<512x8192xf32> -> vector<512x8192xf32>
    %mul3A = arith.mulf %get3A_4, %get3A_4 : vector<8192x32xf32>
    %reduce_sum3A = arith.constant dense<0.000000e+00> : vector<8192xf32>
    %reduce_sum3A_7 = vector.multi_reduction <add>, %mul3A, %reduce_sum3A [1] : vector<8192x32xf32> to vector<8192xf32>
    %mul3A_8 = arith.mulf %get3A_1, %get3A_1 : vector<512x32xf32>
    %reduce_sum3A_9 = arith.constant dense<0.000000e+00> : vector<512xf32>
    %reduce_sum3A_10 = vector.multi_reduction <add>, %mul3A_8, %reduce_sum3A_9 [1] : vector<512x32xf32> to vector<512xf32>
    %broadcast_in_dim3A = vector.shape_cast %reduce_sum3A_10 : vector<512xf32> to vector<512x1xf32>
    %mul3A_11 = arith.constant -2.000000e+00 : f32
    %mul3A_12 = vector.broadcast %mul3A_11 : f32 to vector<512x8192xf32>
    %mul3A_13 = arith.mulf %mul3A_12, %dot_general3A_6 : vector<512x8192xf32>
    %broadcast_in_dim3A_14 = vector.shape_cast %reduce_sum3A_7 : vector<8192xf32> to vector<1x8192xf32>
    %add3A = vector.broadcast %broadcast_in_dim3A_14 : vector<1x8192xf32> to vector<512x8192xf32>
    %add3A_15 = arith.addf %mul3A_13, %add3A : vector<512x8192xf32>
    %add3A_16 = vector.broadcast %broadcast_in_dim3A : vector<512x1xf32> to vector<512x8192xf32>
    %add3A_17 = arith.addf %add3A_15, %add3A_16 : vector<512x8192xf32>
    %slice3A = vector.extract_strided_slice %add3A_17 {offsets = [0, 0], sizes = [512, 2048], strides = [1, 1]} : vector<512x8192xf32> to vector<512x2048xf32>
    %reduce_min3A = arith.constant dense<0x7F800000> : vector<512xf32>
    %reduce_min3A_18 = vector.multi_reduction <minimumf>, %slice3A, %reduce_min3A [1] : vector<512x2048xf32> to vector<512xf32>
    %broadcast_in_dim3A_19 = vector.shape_cast %reduce_min3A_18 : vector<512xf32> to vector<512x1xf32>
    %iota3A = tpu.iota {dimensions = array<i32: 1>} : vector<512x2048xi32>
    %add3A_20 = arith.constant 0 : i32
    %add3A_21 = vector.broadcast %add3A_20 : i32 to vector<512x2048xi32>
    %add3A_22 = arith.addi %iota3A, %add3A_21 : vector<512x2048xi32>
    %eq3A = vector.broadcast %broadcast_in_dim3A_19 : vector<512x1xf32> to vector<512x2048xf32>
    %eq3A_23 = arith.cmpf oeq, %slice3A, %eq3A : vector<512x2048xf32>
    %jit3A = arith.constant 8192 : i32
    %broadcast_in_dim3A_24 = vector.broadcast %jit3A : i32 to vector<512x2048xi32>
    %select_n3A = arith.select %eq3A_23, %add3A_22, %broadcast_in_dim3A_24 : vector<512x2048xi1>, vector<512x2048xi32>
    %reduce_min3A_25 = arith.constant dense<2147483647> : vector<512xi32>
    %reduce_min3A_26 = vector.multi_reduction <minsi>, %select_n3A, %reduce_min3A_25 [1] : vector<512x2048xi32> to vector<512xi32>
    %broadcast_in_dim3A_27 = vector.shape_cast %reduce_min3A_26 : vector<512xi32> to vector<512x1xi32>
    %convert_element_type3A_28 = arith.truncf %broadcast_in_dim3A_19 : vector<512x1xf32> to vector<512x1xbf16>
    %convert_element_type3A_29 = arith.extf %convert_element_type3A_28 : vector<512x1xbf16> to vector<512x1xf32>
    %slice3A_30 = vector.extract_strided_slice %add3A_17 {offsets = [0, 2048], sizes = [512, 2048], strides = [1, 1]} : vector<512x8192xf32> to vector<512x2048xf32>
    %reduce_min3A_31 = arith.constant dense<0x7F800000> : vector<512xf32>
    %reduce_min3A_32 = vector.multi_reduction <minimumf>, %slice3A_30, %reduce_min3A_31 [1] : vector<512x2048xf32> to vector<512xf32>
    %broadcast_in_dim3A_33 = vector.shape_cast %reduce_min3A_32 : vector<512xf32> to vector<512x1xf32>
    %iota3A_34 = tpu.iota {dimensions = array<i32: 1>} : vector<512x2048xi32>
    %add3A_35 = arith.constant 2048 : i32
    %add3A_36 = vector.broadcast %add3A_35 : i32 to vector<512x2048xi32>
    %add3A_37 = arith.addi %iota3A_34, %add3A_36 : vector<512x2048xi32>
    %eq3A_38 = vector.broadcast %broadcast_in_dim3A_33 : vector<512x1xf32> to vector<512x2048xf32>
    %eq3A_39 = arith.cmpf oeq, %slice3A_30, %eq3A_38 : vector<512x2048xf32>
    %jit3A_40 = arith.constant 8192 : i32
    %broadcast_in_dim3A_41 = vector.broadcast %jit3A_40 : i32 to vector<512x2048xi32>
    %select_n3A_42 = arith.select %eq3A_39, %add3A_37, %broadcast_in_dim3A_41 : vector<512x2048xi1>, vector<512x2048xi32>
    %reduce_min3A_43 = arith.constant dense<2147483647> : vector<512xi32>
    %reduce_min3A_44 = vector.multi_reduction <minsi>, %select_n3A_42, %reduce_min3A_43 [1] : vector<512x2048xi32> to vector<512xi32>
    %broadcast_in_dim3A_45 = vector.shape_cast %reduce_min3A_44 : vector<512xi32> to vector<512x1xi32>
    %lt3A = arith.cmpf olt, %broadcast_in_dim3A_33, %convert_element_type3A_29 : vector<512x1xf32>
    %select_n3A_46 = arith.select %lt3A, %broadcast_in_dim3A_33, %convert_element_type3A_29 : vector<512x1xi1>, vector<512x1xf32>
    %select_n3A_47 = arith.select %lt3A, %broadcast_in_dim3A_45, %broadcast_in_dim3A_27 : vector<512x1xi1>, vector<512x1xi32>
    %convert_element_type3A_48 = arith.truncf %select_n3A_46 : vector<512x1xf32> to vector<512x1xbf16>
    %convert_element_type3A_49 = arith.extf %convert_element_type3A_48 : vector<512x1xbf16> to vector<512x1xf32>
    %slice3A_50 = vector.extract_strided_slice %add3A_17 {offsets = [0, 4096], sizes = [512, 2048], strides = [1, 1]} : vector<512x8192xf32> to vector<512x2048xf32>
    %reduce_min3A_51 = arith.constant dense<0x7F800000> : vector<512xf32>
    %reduce_min3A_52 = vector.multi_reduction <minimumf>, %slice3A_50, %reduce_min3A_51 [1] : vector<512x2048xf32> to vector<512xf32>
    %broadcast_in_dim3A_53 = vector.shape_cast %reduce_min3A_52 : vector<512xf32> to vector<512x1xf32>
    %iota3A_54 = tpu.iota {dimensions = array<i32: 1>} : vector<512x2048xi32>
    %add3A_55 = arith.constant 4096 : i32
    %add3A_56 = vector.broadcast %add3A_55 : i32 to vector<512x2048xi32>
    %add3A_57 = arith.addi %iota3A_54, %add3A_56 : vector<512x2048xi32>
    %eq3A_58 = vector.broadcast %broadcast_in_dim3A_53 : vector<512x1xf32> to vector<512x2048xf32>
    %eq3A_59 = arith.cmpf oeq, %slice3A_50, %eq3A_58 : vector<512x2048xf32>
    %jit3A_60 = arith.constant 8192 : i32
    %broadcast_in_dim3A_61 = vector.broadcast %jit3A_60 : i32 to vector<512x2048xi32>
    %select_n3A_62 = arith.select %eq3A_59, %add3A_57, %broadcast_in_dim3A_61 : vector<512x2048xi1>, vector<512x2048xi32>
    %reduce_min3A_63 = arith.constant dense<2147483647> : vector<512xi32>
    %reduce_min3A_64 = vector.multi_reduction <minsi>, %select_n3A_62, %reduce_min3A_63 [1] : vector<512x2048xi32> to vector<512xi32>
    %broadcast_in_dim3A_65 = vector.shape_cast %reduce_min3A_64 : vector<512xi32> to vector<512x1xi32>
    %lt3A_66 = arith.cmpf olt, %broadcast_in_dim3A_53, %convert_element_type3A_49 : vector<512x1xf32>
    %select_n3A_67 = arith.select %lt3A_66, %broadcast_in_dim3A_53, %convert_element_type3A_49 : vector<512x1xi1>, vector<512x1xf32>
    %select_n3A_68 = arith.select %lt3A_66, %broadcast_in_dim3A_65, %select_n3A_47 : vector<512x1xi1>, vector<512x1xi32>
    %convert_element_type3A_69 = arith.truncf %select_n3A_67 : vector<512x1xf32> to vector<512x1xbf16>
    %convert_element_type3A_70 = arith.extf %convert_element_type3A_69 : vector<512x1xbf16> to vector<512x1xf32>
    %slice3A_71 = vector.extract_strided_slice %add3A_17 {offsets = [0, 6144], sizes = [512, 2048], strides = [1, 1]} : vector<512x8192xf32> to vector<512x2048xf32>
    %reduce_min3A_72 = arith.constant dense<0x7F800000> : vector<512xf32>
    %reduce_min3A_73 = vector.multi_reduction <minimumf>, %slice3A_71, %reduce_min3A_72 [1] : vector<512x2048xf32> to vector<512xf32>
    %broadcast_in_dim3A_74 = vector.shape_cast %reduce_min3A_73 : vector<512xf32> to vector<512x1xf32>
    %iota3A_75 = tpu.iota {dimensions = array<i32: 1>} : vector<512x2048xi32>
    %add3A_76 = arith.constant 6144 : i32
    %add3A_77 = vector.broadcast %add3A_76 : i32 to vector<512x2048xi32>
    %add3A_78 = arith.addi %iota3A_75, %add3A_77 : vector<512x2048xi32>
    %eq3A_79 = vector.broadcast %broadcast_in_dim3A_74 : vector<512x1xf32> to vector<512x2048xf32>
    %eq3A_80 = arith.cmpf oeq, %slice3A_71, %eq3A_79 : vector<512x2048xf32>
    %jit3A_81 = arith.constant 8192 : i32
    %broadcast_in_dim3A_82 = vector.broadcast %jit3A_81 : i32 to vector<512x2048xi32>
    %select_n3A_83 = arith.select %eq3A_80, %add3A_78, %broadcast_in_dim3A_82 : vector<512x2048xi1>, vector<512x2048xi32>
    %reduce_min3A_84 = arith.constant dense<2147483647> : vector<512xi32>
    %reduce_min3A_85 = vector.multi_reduction <minsi>, %select_n3A_83, %reduce_min3A_84 [1] : vector<512x2048xi32> to vector<512xi32>
    %broadcast_in_dim3A_86 = vector.shape_cast %reduce_min3A_85 : vector<512xi32> to vector<512x1xi32>
    %lt3A_87 = arith.cmpf olt, %broadcast_in_dim3A_74, %convert_element_type3A_70 : vector<512x1xf32>
    %select_n3A_88 = arith.select %lt3A_87, %broadcast_in_dim3A_86, %select_n3A_68 : vector<512x1xi1>, vector<512x1xi32>
    %squeeze3A = vector.shape_cast %select_n3A_88 : vector<512x1xi32> to vector<512xi32>
    %swap3A = arith.constant 0 : index
    %swap3A_89 = arith.constant 0 : index
    %swap3A_90 = arith.constant 0 : index
    %swap3A_91 = vector.load %arg3[%swap3A, %swap3A_89, %swap3A_90] : memref<1x1x512xi32, #tpu.memory_space<vmem>>, vector<1x1x512xi32>
    %swap3A_92 = vector.shape_cast %swap3A_91 : vector<1x1x512xi32> to vector<512xi32>
    %swap3A_93 = vector.shape_cast %squeeze3A : vector<512xi32> to vector<1x1x512xi32>
    tpu.vector_store %arg3[%swap3A, %swap3A_89, %swap3A_90], %swap3A_93 {strides = array<i32>} : memref<1x1x512xi32, #tpu.memory_space<vmem>>, vector<1x1x512xi32>,
    return
  }
  func.func @transform_0(%arg0: i32) -> (i32, i32) {
    %c0_i32 = arith.constant 0 : i32
    %c0_i32_0 = arith.constant 0 : i32
    return %arg0, %c0_i32 : i32, i32
  }
  func.func @transform_1(%arg0: i32) -> (i32, i32) {
    %c0_i32 = arith.constant 0 : i32
    %c0_i32_0 = arith.constant 0 : i32
    %c0_i32_1 = arith.constant 0 : i32
    return %c0_i32, %c0_i32_0 : i32, i32
  }
  func.func @transform_2(%arg0: i32) -> (i32, i32, i32) {
    %c0_i32 = arith.constant 0 : i32
    %c0_i32_0 = arith.constant 0 : i32
    %c0_i32_1 = arith.constant 0 : i32
    return %arg0, %c0_i32, %c0_i32_0 : i32, i32, i32
  }
}

</mosaic_0001>

<sc_bundles>
// kernel: kernel.4.cloned.1.call-start
scs
__scs_entry_jumppad:
0x0: {  	(pc) =	sbr.rel $0x88, $3  }
0x1: {  	(tag) =	ssettag $0x0;
	lr =	simm.s32 $0x1  }
0x2: {  	[smem:$0x3F9F] =	sst lr;
	_ =	strace $0xD0000000  }
0x3: {  	_ = 	snop  }
0x4: {  	_ = 	snop  }
0x5: {  	_ = 	snop  }
0x6: {  	_ = 	snop  }
0x7: {  	_ = 	snop  }
__scs_overlays_trampoline_lowered:
0x8: {  	[smem:$0x3FAE] =	sst s0  }
0x9: {  	[smem:$0x3FAF] =	sst s1  }
0xa: {  	[smem:$0x3FB0] =	sst s2  }
0xb: {  	[smem:$0x3FB1] =	sst s3  }
0xc: {  	[smem:$0x3FB2] =	sst s4  }
0xd: {  	[smem:$0x3FB3] =	sst s5  }
0xe: {  	[smem:$0x3FB4] =	sst s6  }
0xf: {  	[smem:$0x3FB5] =	sst s7  }
0x10: {  	[smem:$0x3FB6] =	sst s8  }
0x11: {  	[smem:$0x3FB7] =	sst s9;
	s0 =	simm.s32 @!p0 $0x0  }
0x12: {  	s1 =	sld [smem:$0x3F9D];
	s0 =	simm.s32 @p0 $0x1  }
0x13: {  	[smem:$0x3FB8] =	sst s0;
	s0 =	simm.s32 @!p1 $0x0  }
0x14: {  	s2 =	sld [smem:$0x3F9C];
	s0 =	simm.s32 @p1 $0x1  }
0x15: {  	[smem:$0x3FB9] =	sst s0;
	s0 =	simm.s32 @!p2 $0x0  }
0x16: {  	s3 =	sld [smem:$0x3FDB];
	s0 =	simm.s32 @p2 $0x1  }
0x17: {  	s4 =	simm.s32 $0x1BF5;
	[smem:$0x3FBB] =	sst s0  }
0x18: {  	s0 =	sld [smem:$0x3F9E];
	_ =	swait.ge [sflag:s4], $0x0  }
0x19: {  	s7 =	sld [smem:$0x3F9F]  }
0x1a: {  	s8 =	sadd.s32 $0xFFFFE003, lr  }
0x1b: {  	s9 =	sadd.s32 $0xFFFFFEF7, lr;
	s5 =	simm.s32 $0xFFFFFFFF;
	p2 =	slt.u32 s8, $0xFFFFF086  }
0x1c: {  	p1 =	slt.u32 s9, $0xF7A;
	s5 =	simm.s32 @!p2 $0x0  }
0x1d: {  	s5 =	simm.s32 @p1 $0x1;
	p0 =	seq.s32 s7, s2  }
0x1e: {  	s7 =	smul.u32 @!p0 $0xF7A, s2;
	p2 =	seq.s32 @!p0 s5, $0x0  }
0x1f: {  	s9 =	smul.u32 $0xF7A, s1;
	s8 =	simm.s32 @!p0 $0x1BF5;
	p2 =	por !p2, p0  }
0x20: {  	[sflag:s8] =	ssyncset.s32 @!p0 $0xFFFFF086;
	s6 =	sadd.s32 @!p0 s3, s7;
	s7 =	simm.s32 @!p0 $0x108  }
0x21: {  	s3 =	sadd.s32 s3, s9;
	s6 =	sadd.s32 @!p0 $0x88, s6;
	s7 =	simm.s32 @p2 $0x1082  }
0x22: {  	[simem:s7], [sflag:s8] =	dma.local @!p0 [hbm:s6], $0xF7A  }
0x23: {  	s9 =	sor.u32 $0xD0000000, s2;
	s6 =	simm.s32 $0x108;
	_ =	swait.ge @!p0 [sflag:s8], $0x0  }
0x24: {  	s3 =	sadd.s32 $0x88, s3;
	s6 =	simm.s32 @!p1 $0x1082;
	[sflag:s4] =	ssyncset.s32 $0xFFFFF086  }
0x25: {  	[simem:s6], [sflag:s4] =	dma.local [hbm:s3], $0xF7A  }
0x26: {  	[smem:$0x3F9F] =	sst s1;
	(tag) =	ssettag s2;
	_ =	strace s9  }
0x27: {  	s1 =	sld [smem:$0x3FAF]  }
0x28: {  	s2 =	sld [smem:$0x3FB0]  }
0x29: {  	s4 =	sld [smem:$0x3FB2]  }
0x2a: {  	p0 =	seq.s32 s5, $0x0;
	s5 =	sld [smem:$0x3FB3]  }
0x2b: {  	s6 =	sld [smem:$0x3FB4]  }
0x2c: {  	s7 =	sld [smem:$0x3FB5]  }
0x2d: {  	s3 =	simm.s32 $0x108;
	s8 =	sld [smem:$0x3FB6]  }
0x2e: {  	s3 =	simm.s32 @!p0 $0x1082;
	s9 =	sld [smem:$0x3FB7]  }
0x2f: {  	lr =	sadd.s32 s0, s3;
	s0 =	sld [smem:$0x3FAE]  }
0x30: {  	s3 =	sld [smem:$0x3FB1]  }
0x31: {  	[smem:$0x3FBA] =	sst s10  }
0x32: {  	s10 =	sld [smem:$0x3FB8];
	_ =	sdelay $0x3  }
0x33: {  	p0 =	seq.s32 s10, $0x1;
	s10 =	sld [smem:$0x3FBA];
	_ =	sdelay $0x3  }
0x34: {  	[smem:$0x3FBA] =	sst s10  }
0x35: {  	s10 =	sld [smem:$0x3FB9];
	_ =	sdelay $0x3  }
0x36: {  	p1 =	seq.s32 s10, $0x1;
	s10 =	sld [smem:$0x3FBA];
	_ =	sdelay $0x3  }
0x37: {  	[smem:$0x3FBA] =	sst s10  }
0x38: {  	s10 =	sld [smem:$0x3FBB]  }
0x39: {  	_ = 	snop;
	(pc) =	sbr.ind lr, $3  }
0x3a: {  	_ = 	snop  }
0x3b: {  	_ = 	snop  }
0x3c: {  	p2 =	seq.s32 s10, $0x1;
	s10 =	sld [smem:$0x3FBA]  }
0x3d: {  	_ =	shalt  }
0x3e: {  	_ =	shalt  }
0x3f: {  	_ =	shalt  }
0x40: {  	_ =	shalt  }
0x41: {  	_ =	shalt  }
0x42: {  	_ =	shalt  }
0x43: {  	_ =	shalt  }
0x44: {  	_ =	shalt  }
0x45: {  	_ =	shalt  }
0x46: {  	_ =	shalt  }
0x47: {  	_ =	shalt  }
0x48: {  	_ =	shalt  }
0x49: {  	_ =	shalt  }
0x4a: {  	_ =	shalt  }
0x4b: {  	_ =	shalt  }
0x4c: {  	_ =	shalt  }
0x4d: {  	_ =	shalt  }
0x4e: {  	_ =	shalt  }
0x4f: {  	_ =	shalt  }
0x50: {  	_ =	shalt  }
0x51: {  	_ =	shalt  }
0x52: {  	_ =	shalt  }
0x53: {  	_ =	shalt  }
0x54: {  	_ =	shalt  }
0x55: {  	_ =	shalt  }
0x56: {  	_ =	shalt  }
0x57: {  	_ =	shalt  }
0x58: {  	_ =	shalt  }
0x59: {  	_ =	shalt  }
0x5a: {  	_ =	shalt  }
0x5b: {  	_ =	shalt  }
0x5c: {  	_ =	shalt  }
0x5d: {  	_ =	shalt  }
0x5e: {  	_ =	shalt  }
0x5f: {  	_ =	shalt  }
0x60: {  	_ =	shalt  }
0x61: {  	_ =	shalt  }
0x62: {  	_ =	shalt  }
0x63: {  	_ =	shalt  }
0x64: {  	_ =	shalt  }
0x65: {  	_ =	shalt  }
0x66: {  	_ =	shalt  }
0x67: {  	_ =	shalt  }
0x68: {  	_ =	shalt  }
0x69: {  	_ =	shalt  }
0x6a: {  	_ =	shalt  }
0x6b: {  	_ =	shalt  }
0x6c: {  	_ =	shalt  }
0x6d: {  	_ =	shalt  }
0x6e: {  	_ =	shalt  }
0x6f: {  	_ =	shalt  }
0x70: {  	_ =	shalt  }
0x71: {  	_ =	shalt  }
0x72: {  	_ =	shalt  }
0x73: {  	_ =	shalt  }
0x74: {  	_ =	shalt  }
0x75: {  	_ =	shalt  }
0x76: {  	_ =	shalt  }
0x77: {  	_ =	shalt  }
0x78: {  	_ =	shalt  }
0x79: {  	_ =	shalt  }
0x7a: {  	_ =	shalt  }
0x7b: {  	_ =	shalt  }
0x7c: {  	_ =	shalt  }
0x7d: {  	_ =	shalt  }
0x7e: {  	_ =	shalt  }
0x7f: {  	_ =	shalt  }
0x80: {  	_ =	shalt  }
0x81: {  	_ =	shalt  }
0x82: {  	_ =	shalt  }
0x83: {  	_ =	shalt  }
0x84: {  	_ =	shalt  }
0x85: {  	_ =	shalt  }
0x86: {  	_ =	shalt  }
0x87: {  	_ =	shalt  }
.Lfunc_end0:
.L_simem_size_0:
called_computation_lowered:
.L_overlay_start_0:
0x88: {  	s2 =	sld [smem:$0x3FD9]  }
0x89: {  	s3 =	sld [smem:$0x3FFE];
	_ =	sdelay $0x1  }
0x8a: {  	s1 =	srdreg.scid  }
0x8b: {  	s0 =	sand.u32 $0x1, s1  }
0x8c: {  	s14 =	sshll.u32 s0, $0xA;
	s2 =	sadd.s32 s3, s2  }
0x8d: {  	s2 =	sadd.s32 s2, s14  }
0x8e: {  	[smem:$0x3FC6] =	sst s2  }
0x8f: {  	_ = 	snop  }
0x90: {  	s2 =	sld [smem:$0x3FD0];
	_ =	sdelay $0x2  }
0x91: {  	s15 =	simm.s32 $0xA;
	s4 =	simm.s32 $0x10  }
0x92: {  	[smem:s4], [sflag:s15] =	dma.local [hbm:s2], $0x1  }
0x93: {  	_ =	swait.eq [sflag:s15], $0x1  }
0x94: {  	[sflag:s15] =	ssyncset.done $0x0  }
0x95: {  	s16 =	sld [smem:$0x10];
	[sflag:s15] =	ssyncadd.s32 $0xFFFFFFFF  }
0x96: {  	s17 =	sld [smem:$0x11];
	(tm) =	ssettm $0x1  }
0x97: {  	s18 =	sld [smem:$0x3FFB];
	_ =	sdelay $0x3  }
0x98: {  	_ =	strace s18  }
0x99: {  	s4 =	sld [smem:$0x3FFC];
	_ =	sdelay $0x3  }
0x9a: {  	_ =	strace s4  }
0x9b: {  	s4 =	sld [smem:$0x3FFD];
	_ =	sdelay $0x3  }
0x9c: {  	_ =	strace s4  }
0x9d: {  	_ =	strace $0x8FFFFFFF  }
0x9e: {  	s19 =	sld [smem:$0x3FDB];
	_ =	sdelay $0x1  }
0x9f: {  	s5 =	simm.s32 $_scs_section_size  }
0xa0: {  	s6 =	simm.s32 $_size__tile_overlayer_lowered;
	s7 =	simm.s32 $_tile_overlayer_lowered  }
0xa1: {  	s22 =	simm.s32 $0x1BFF;
	s21 =	sshll.u32 s7, $0x1;
	s4 =	sadd.s32 s5, s19  }
0xa2: {  	s8 =	simm.s32 $0x0;
	s20 =	sshll.u32 s6, $0x1;
	s6 =	sadd.s32 s21, s4  }
0xa3: {  	[timem:s8], [sflag:s22] =	dma.local [hbm:s6], s20  }
0xa4: {  	_ =	swait.ge [sflag:s22], s20  }
0xa5: {  	s5 =	ssub.s32 $0x0, s20;
	[sflag:s22] =	ssyncset.done $0x0  }
0xa6: {  	[sflag:s22] =	ssyncadd.s32 s5;
	_ =	sdelay $0x1  }
0xa7: {  	s23 =	simm.s32 $0x1B8B  }
0xa8: {  	_ =	swait.ge [sflag:s23], $0x1  }
0xa9: {  	[sflag:s23] =	ssyncset.done $0x0  }
0xaa: {  	s25 =	simm.s32 $0x1B8E;
	s24 =	sld [smem:$0x3FFE];
	[sflag:s23] =	ssyncadd.s32 $0xFFFFFFFF  }
0xab: {  	s26 =	simm.s32 $execute0_lowered;
	[smem:$0x3FD2] =	sst s25  }
0xac: {  	s6 =	sshll.u32 s26, $0x1;
	_ =	strace $0x80000046;
	[dreg:$0x1] =	wrdreg $0xFFFFFFFF  }
0xad: {  	s28 =	simm.s32 $_size_execute0_lowered;
	s4 =	sadd.s32 s4, s6;
	[dreg:$0x0] =	wrdreg $0x0  }
0xae: {  	s6 =	sshll.u32 s28, $0x1;
	[dreg:$0x2] =	wrdreg s4  }
0xaf: {  	[dreg:$0x3] =	wrdreg s6  }
0xb0: {  	[dreg:$0x4] =	wrdreg $0xC0  }
0xb1: {  	_ =	task [dreg:s8], $0x5FFFF  }
0xb2: {  	[dreg:$0x1] =	wrdreg $0xFFFFFFFF  }
0xb3: {  	[dreg:$0x0] =	wrdreg $0x60  }
0xb4: {  	[dreg:$0x2] =	wrdreg s17  }
0xb5: {  	[dreg:$0x3] =	wrdreg s24  }
0xb6: {  	[dreg:$0x4] =	wrdreg s16  }
0xb7: {  	[dreg:$0x5] =	wrdreg $0x9  }
0xb8: {  	_ =	task.clear_ibuf [dreg:s8], $0x6FFFF;
	_ =	strace $0x90000046  }
0xb9: {  	s29 =	simm.s32 $0x9;
	_ =	strace $0x80000048  }
0xba: {  	_ =	swait.ge [sflag:s29], $0x1  }
0xbb: {  	[sflag:s29] =	ssyncadd.s32 $0xFFFFFFFF  }
0xbc: {  	_ =	strace $0x90000048  }
0xbd: {  	_ =	sfence  }
0xbe: {  	s30 =	sld [smem:$0x0];
	_ =	sdelay $0x2  }
0xbf: {  	s31 =	sshll.u32 s1, $0xD;
	s1 =	sshrl.u32 s1, $0x2  }
0xc0: {  	s3 =	sand.u32 $0x4000, s31;
	s1 =	sadd.s32 s1, s30  }
0xc1: {  	s0 =	sor.u32 s3, s0;
	s1 =	sshll.u32 s1, $0x11  }
0xc2: {  	s0 =	sor.u32 s1, s0  }
0xc3: {  	s0 =	sadd.s32 $0x8F2B, s0  }
0xc4: {  	[sflag:s0] =	ssyncadd.remote.s32 $0x1  }
0xc5: {  	_ =	sfence.sel $0xFFFF  }
0xc6: {  	[dreg:$0x0] =	wrdreg $0xFFFFFFFF;
	(pc) =	sbr.abs _section_cstart, $3  }
0xc7: {  	[dreg:$0x1] =	wrdreg $0xFFFFFFFF  }
0xc8: {  	_ =	task.clear_ibuf [dreg:s8], $0x2FFFF;
	_ =	strace $0x9FFFFFFF  }
0xc9: {  	(tm) =	ssettm $0x7FFFFFFF  }
tec
execute0_lowered:
.L_overlay_start_1:
0x0: {  	(tag) =	ssettag $0x1  }
0x1: {  	s1 =	rddreg [dreg:$0x0];
	s2 =	srdreg.scid  }
0x2: {  	s4 =	rddreg [dreg:$0x1];
	s0 =	stileid.u32;
	s11 =	sand.u32 $0x1, s2  }
0x3: {  	s12 =	rddreg [dreg:$0x2];
	s5 =	sshll.u32 s0, $0x9;
	s6 =	sshll.u32 s11, $0x8  }
0x4: {  	s3 =	simm.s32 $0x0;
	s2 =	rddreg [dreg:$0x3];
	s13 =	sor.u32 s6, s5  }
0x5: {  	[smem:$0x7FF] =	sst s3;
	s29 =	sadd.s32 $0x800, s4;
	s30 =	sshrl.u32 s13, $0x3  }
0x6: {  	s4 =	simm.s32 $0x2;
	_ =	strace $0x80000047;
	s5 =	sadd.s32 s29, s30  }
0x7: {  	[tilespmem:s3], [sflag:$0x2] =	stream.linear.gather [hbm4b:s5+s3], $0x80, $0x38;
	[tilespmem:$0x8100] =	vst v63  }
0x8: {  	s14 =	sor.u32 $0x80, s13;
	_ =	swait.ge [sflag:s4], $0x80  }
0x9: {  	s7 =	sshrl.u32 s14, $0x3;
	[sflag:s4] =	ssyncset.done $0x0  }
0xa: {  	s6 =	sadd.s32 s29, s7;
	s7 =	simm.s32 $0x80;
	[sflag:s4] =	ssyncadd.s32 $0xFFFFFF80  }
0xb: {  	[tilespmem:s7], [sflag:$0x2] =	stream.linear.gather [hbm4b:s6+s3], $0x80, $0x38;
	[tilespmem:$0x8100] =	vst v63  }
0xc: {  	_ =	swait.ge [sflag:s4], $0x80  }
0xd: {  	[sflag:s4] =	ssyncset.done $0x0  }
0xe: {  	s8 =	simm.s32 $0x100;
	[sflag:s4] =	ssyncadd.s32 $0xFFFFFF80  }
0xf: {  	[tilespmem:s8], [sflag:$0x1] =	stream.indirect.gather [hbm4b:s1+s7], $0x80, s3, s7, $0xb8;
	[tilespmem:$0x8100] =	vst v63  }
0x10: {  	s9 =	simm.s32 $0x4100;
	s10 =	simm.s32 $0x1  }
0x11: {  	[tilespmem:s9], [sflag:$0x1] =	stream.indirect.gather [hbm4b:s1+s7], $0x80, s7, s7, $0xb8;
	[tilespmem:$0x8100] =	vst v63  }
0x12: {  	_ =	swait.ge [sflag:s10], $0x4000  }
0x13: {  	[sflag:s10] =	ssyncset.done $0x0  }
0x14: {  	s15 =	ssub.s32 $0x2, s11;
	[sflag:s10] =	ssyncadd.s32 $0xFFFFC000  }
0x15: {  	s31 =	sshrl.u32 s15, $0x1;
	s13 =	sshll.u32 s13, $0x4;
	_ =	swait.ge [sflag:s10], $0x4000  }
0x16: {  	s11 =	sadd.s32 s12, s13;
	s13 =	ssub.s32 s15, s31;
	[sflag:s10] =	ssyncset.done $0x0  }
0x17: {  	s13 =	smax.u32 s13, $0x1;
	[sflag:s10] =	ssyncadd.s32 $0xFFFFC000  }
0x18: {  	[hbm4b:s11+s3] =	stream.linear.scatter [tilespmem:s8], [sflag:$0x2], $0x4000, $0x38;
	[tilespmem:$0x8100] =	vst v63  }
0x19: {  	p0 =	sne.s32 s13, $0x1;
	_ =	swait.ge [sflag:s4], $0x4000  }
.Ltmp0:
0x1a: {  	s14 =	sshll.u32 s14, $0x4;
	[sflag:s4] =	ssyncset.done $0x0;
	(pc) =	sbr.rel @!p0 .LBB2_2-.Ltmp0, $4  }
0x1b: {  	s12 =	sadd.s32 s12, s14;
	[sflag:s4] =	ssyncadd.s32 $0xFFFFC000  }
0x1c: {  	[hbm4b:s12+s3] =	stream.linear.scatter [tilespmem:s9], [sflag:$0x2], $0x4000, $0x38;
	[tilespmem:$0x8100] =	vst v63  }
0x1d: {  	_ =	swait.ge [sflag:s4], $0x4000  }
0x1e: {  	s13 =	sadd.s32 $0xFFFFFFFF, s13;
	[sflag:s4] =	ssyncset.done $0x0  }
.LBB2_1:
0x1f: {  	p0 =	sne.s32 s13, $0x1;
	s13 =	sadd.s32 $0xFFFFFFFF, s13;
	[sflag:s4] =	ssyncadd.s32 $0xFFFFC000  }
0x20: {  	[tilespmem:s3], [sflag:$0x2] =	stream.linear.gather [hbm4b:s5+s3], $0x80, $0x38;
	[tilespmem:$0x8100] =	vst v63  }
0x21: {  	_ =	swait.ge [sflag:s4], $0x80  }
0x22: {  	[sflag:s4] =	ssyncset.done $0x0  }
0x23: {  	[sflag:s4] =	ssyncadd.s32 $0xFFFFFF80  }
0x24: {  	[tilespmem:s7], [sflag:$0x2] =	stream.linear.gather [hbm4b:s6+s3], $0x80, $0x38;
	[tilespmem:$0x8100] =	vst v63  }
0x25: {  	_ =	swait.ge [sflag:s4], $0x80  }
0x26: {  	[sflag:s4] =	ssyncset.done $0x0  }
0x27: {  	[sflag:s4] =	ssyncadd.s32 $0xFFFFFF80  }
0x28: {  	[tilespmem:s8], [sflag:$0x1] =	stream.indirect.gather [hbm4b:s1+s7], $0x80, s3, s7, $0xb8;
	[tilespmem:$0x8100] =	vst v63  }
0x29: {  	_ = 	snop  }
0x2a: {  	[tilespmem:s9], [sflag:$0x1] =	stream.indirect.gather [hbm4b:s1+s7], $0x80, s7, s7, $0xb8;
	[tilespmem:$0x8100] =	vst v63  }
0x2b: {  	_ =	swait.ge [sflag:s10], $0x4000  }
0x2c: {  	[sflag:s10] =	ssyncset.done $0x0  }
0x2d: {  	[sflag:s10] =	ssyncadd.s32 $0xFFFFC000  }
0x2e: {  	_ =	swait.ge [sflag:s10], $0x4000  }
0x2f: {  	[sflag:s10] =	ssyncset.done $0x0  }
0x30: {  	[sflag:s10] =	ssyncadd.s32 $0xFFFFC000  }
0x31: {  	[hbm4b:s11+s3] =	stream.linear.scatter [tilespmem:s8], [sflag:$0x2], $0x4000, $0x38;
	[tilespmem:$0x8100] =	vst v63  }
0x32: {  	_ =	swait.ge [sflag:s4], $0x4000  }
.Ltmp1:
0x33: {  	[sflag:s4] =	ssyncset.done $0x0;
	(pc) =	sbr.rel @p0 .LBB2_1-.Ltmp1, $4  }
0x34: {  	[sflag:s4] =	ssyncadd.s32 $0xFFFFC000  }
0x35: {  	[hbm4b:s12+s3] =	stream.linear.scatter [tilespmem:s9], [sflag:$0x2], $0x4000, $0x38;
	[tilespmem:$0x8100] =	vst v63  }
0x36: {  	_ =	swait.ge [sflag:s4], $0x4000  }
0x37: {  	[sflag:s4] =	ssyncset.done $0x0  }
.LBB2_2:
0x38: {  	[sflag:s4] =	ssyncadd.s32 $0xFFFFC000  }
0x39: {  	_ =	sfence.sel $0x180000  }
0x3a: {  	[bflag:$0x0] =	sbarrier.arrive $0xFFFF  }
0x3b: {  	p0 =	sne.s32 s0, $0x0;
	_ =	strace $0x90000047  }
0x3c: {  	s0 =	sadd.s32 @!p0 $0x100000, s2;
	[bflag:$0x2] =	sbarrier.arrive $0xFFFF  }
0x3d: {  	[sflag:s0] =	ssyncadd.tile.s32 @!p0 $0x1;
	_ =	shalt  }
.Lfunc_end2:
_tile_overlayer_lowered:
.L_overlay_start_2:
0x3e: {  	(tag) =	ssettag $0x2  }
0x3f: {  	s0 =	rddreg [dreg:$0x0];
	s2 =	stileid.u32  }
0x40: {  	s1 =	rddreg [dreg:$0x1];
	p0 =	sne.s32 s2, $0x0  }
0x41: {  	s3 =	rddreg [dreg:$0x2];
	[bflag:$0x3] =	sbarrier.arrive $0xFFFF;
	s2 =	simm.s32 @!p0 $0x1C02  }
0x42: {  	[timem:s3], [sflag:s2] =	dma.local @!p0 [hbm:s0], s1  }
0x43: {  	s0 =	simm.s32 @!p0 $0x2  }
0x44: {  	_ =	swait.ge @!p0 [sflag:s0], s1  }
0x45: {  	s1 =	ssub.s32 @!p0 $0x0, s1;
	[sflag:s0] =	ssyncset.done @!p0 $0x0  }
0x46: {  	[sflag:s0] =	ssyncadd.s32 @!p0 s1  }
0x47: {  	[bflag:$0x3] =	sbarrier.arrive $0xFFFF  }
0x48: {  	_ =	shalt  }

</sc_bundles>
